<compile_context>
chip_gen: v7x
topology: tpu7x:2x2x1
jax: 0.10.2.dev20260603
libtpu: 0.0.44.dev20260713+nightly
codegen_flags: <defaults>
</compile_context>

<pallas_src>
import functools

import jax
import jax.numpy as jnp
from jax import lax
from jax.experimental import pallas as pl
from jax.experimental.pallas import tpu as pltpu
from jax.experimental.pallas import tpu_sc as plsc

N_NODES = 10000
N_EDGES = 320000
D = 128

NC = 2
NS = 16
NW = NC * NS
CS = 128
EPW = N_EDGES // NW
CH = (EPW + CS - 1) // CS
EPW_PAD = CH * CS
ACC_ROWS = 10240
RPT = ACC_ROWS // NS
L = 16


def _sc_segment_sum(src_idx, dst_idx, x):
  mesh = plsc.VectorSubcoreMesh(core_axis_name="c", subcore_axis_name="s")

  @functools.partial(
      pl.kernel,
      mesh=mesh,
      out_type=[
          jax.ShapeDtypeStruct((NC, ACC_ROWS, D), jnp.float32),
          jax.ShapeDtypeStruct((NC, NS, ACC_ROWS), jnp.float32),
      ],
      scratch_types=[
          pltpu.VMEM((CH, CS), jnp.int32),
          pltpu.VMEM((CH, CS), jnp.int32),
          pltpu.VMEM((CS, D), jnp.float32),
          pltpu.VMEM((ACC_ROWS,), jnp.float32),
          pltpu.VMEM_SHARED((ACC_ROWS, D), jnp.float32),
          pltpu.SemaphoreType.DMA,
      ],
      compiler_params=pltpu.CompilerParams(needs_layout_passes=False),
  )
  def seg_kernel(src_hbm, dst_hbm, x_hbm, acc_out, deg_out,
                 src_v, dst_v, rows_v, deg_v, acc_sh, sem):
    c = lax.axis_index("c")
    s = lax.axis_index("s")
    wid = c * NS + s

    zl = jnp.zeros((L,), jnp.float32)

    def fill_zrows(r, _):
      for q in range(D // L):
        rows_v[r, pl.ds(q * L, L)] = zl
      return 0
    lax.fori_loop(0, CS, fill_zrows, 0)

    def fill_deg(i, _):
      for q in range(8):
        deg_v[pl.ds((8 * i + q) * L, L)] = zl
      return 0
    lax.fori_loop(0, ACC_ROWS // (8 * L), fill_deg, 0)

    base = s * RPT
    for k in range(RPT // CS):
      pltpu.sync_copy(rows_v, acc_sh.at[pl.ds(base + k * CS, CS)])
    plsc.subcore_barrier()

    pltpu.sync_copy(src_hbm.at[wid], src_v)
    pltpu.sync_copy(dst_hbm.at[wid], dst_v)

    ones_l = jnp.ones((L,), jnp.float32)

    def chunk(j, _):
      gather = pltpu.async_copy(x_hbm.at[src_v.at[j]], rows_v, sem)
      for g in range(CS // L):
        plsc.addupdate_scatter(deg_v, [dst_v[j, pl.ds(g * L, L)]], ones_l)
      gather.wait()
      pltpu.sync_copy(rows_v, acc_sh.at[dst_v.at[j]], add=True)
      return 0
    lax.fori_loop(0, CH, chunk, 0)

    pltpu.sync_copy(deg_v, deg_out.at[c, s])
    plsc.subcore_barrier()
    pltpu.sync_copy(acc_sh.at[pl.ds(base, RPT)],
                    acc_out.at[c, pl.ds(base, RPT)])

  return seg_kernel(src_idx, dst_idx, x)


def _tc_finish(p0, p1, deg, W, b2):
  M_BLK = 2048
  grid = (ACC_ROWS // M_BLK,)

  def body(p0_ref, p1_ref, d_ref, w_ref, b_ref, o_ref):
    seg = p0_ref[...] + p1_ref[...]
    degcol = jnp.sum(d_ref[...], axis=0)[:, None]
    degc = jnp.maximum(degcol, 1.0)
    y = lax.dot_general(seg / degc, w_ref[...], (((1,), (0,)), ((), ())),
                        precision=lax.Precision.HIGHEST,
                        preferred_element_type=jnp.float32)
    o_ref[...] = y + b_ref[...] * (degcol > 0.0).astype(jnp.float32)

  return pl.pallas_call(
      body,
      grid=grid,
      in_specs=[
          pl.BlockSpec((M_BLK, D), lambda i: (i, 0)),
          pl.BlockSpec((M_BLK, D), lambda i: (i, 0)),
          pl.BlockSpec((NW, M_BLK), lambda i: (0, i)),
          pl.BlockSpec((D, D), lambda i: (0, 0)),
          pl.BlockSpec((1, D), lambda i: (0, 0)),
      ],
      out_specs=pl.BlockSpec((M_BLK, D), lambda i: (i, 0)),
      out_shape=jax.ShapeDtypeStruct((ACC_ROWS, D), jnp.float32),
  )(p0, p1, deg, W, b2)


def kernel(x, edge_index, W, b):
  dst = edge_index[0]
  src = edge_index[1]
  pad = NW * EPW_PAD - N_EDGES
  src_p = jnp.concatenate([src, jnp.zeros((pad,), jnp.int32)])
  dst_p = jnp.concatenate(
      [dst, N_NODES + (jnp.arange(pad, dtype=jnp.int32) % (ACC_ROWS - N_NODES))])
  src_p = src_p.reshape(NW, CH, CS)
  dst_p = dst_p.reshape(NW, CH, CS)

  acc, deg = _sc_segment_sum(src_p, dst_p, x)
  out = _tc_finish(acc[0], acc[1], deg.reshape(NW, ACC_ROWS), W,
                   b.reshape(1, D))
  return out[:N_NODES]

# --- scband reference (transcript-rebuilt; emitter-appended) ---
"""Pipeline reference for scband-gnn-22170621182127 (READ-ONLY COPY).

The authoritative reference and input builder live on the scoring server;
editing this copy changes nothing except your own understanding.
"""

import jax, jax.numpy as jnp
import numpy as np

N_NODES = 10000
N_EDGES = 320000
D_IN = 128
D_OUT = 128


def setup_inputs(seed: int = 0) -> dict:
    key = jax.random.key(seed)
    k1, k2, k3, k4 = jax.random.split(key, 4)
    x = jax.random.normal(k1, (N_NODES, D_IN), dtype=jnp.float32)
    edge_index = jax.random.randint(k2, (2, N_EDGES), 0, N_NODES, dtype=jnp.int32)
    # reset_parameters: uniform(in_channels, tensor) -> U(-1/sqrt(in_channels), 1/sqrt(in_channels))
    bound = 1.0 / np.sqrt(D_IN)
    W = jax.random.uniform(k3, (D_IN, D_OUT), minval=-bound, maxval=bound, dtype=jnp.float32)
    b = jax.random.uniform(k4, (D_OUT,), minval=-bound, maxval=bound, dtype=jnp.float32)
    return {"x": x, "edge_index": edge_index, "W": W, "b": b}


def reference(x, edge_index, W, b):
    # Dense_SAGEConv.forward (B=1 squeezed): x = x @ W + b;
    # out = sparse.mm(A, x) where A is COO (row=dst, col=src);
    # then mean-normalize by per-row degree (clamped to >= 1).
    h = jnp.matmul(x, W) + b
    dst = edge_index[0]
    src = edge_index[1]
    agg = jax.ops.segment_sum(h[src], dst, num_segments=N_NODES)
    deg = jax.ops.segment_sum(jnp.ones((N_EDGES,), dtype=jnp.float32), dst, num_segments=N_NODES)
    deg = jnp.maximum(deg, 1.0)
    out = agg / deg[:, None]
    return out

if __name__ == "__main__":
    import jax
    _d = setup_inputs()
    print(jax.jit(kernel)(*tuple(_d.values())))

</pallas_src>

<mosaic_0001>
#map = affine_map<(d0, d1) -> (0, 0, 0)>
#map1 = affine_map<(d0, d1) -> (0, 0)>
module attributes {stable_mosaic.version = 14 : i64} {
  func.func @seg_kernel(%arg0: i32, %arg1: i32, %arg2: memref<32x79x128xi32, #tpu.memory_space<hbm>>, %arg3: memref<32x79x128xi32, #tpu.memory_space<hbm>>, %arg4: memref<10000x128xf32, #tpu.memory_space<hbm>>, %arg5: memref<2x10240x128xf32, #tpu.memory_space<hbm>>, %arg6: memref<2x16x10240xf32, #tpu.memory_space<hbm>>, %arg7: memref<79x128xi32, #tpu.memory_space<vmem>>, %arg8: memref<79x128xi32, #tpu.memory_space<vmem>>, %arg9: memref<128x128xf32, #tpu.memory_space<vmem>>, %arg10: memref<10240xf32, #tpu.memory_space<vmem>>, %arg11: memref<10240x128xf32, #tpu.memory_space<vmem_shared>>, %arg12: memref<!tpu.dma_semaphore, #tpu.memory_space<semaphore_mem>>) attributes {dimension_semantics = [#tpu.dimension_semantics<core_parallel>, #tpu.dimension_semantics<subcore_parallel>], iteration_bounds = array<i64: 2, 16>, scalar_prefetch = 0 : i64, scratch_operands = 6 : i64, tpu.core_type = #tpu.core_type<sc_vector_subcore>, window_params = [{transform_indices = #map}, {transform_indices = #map}, {transform_indices = #map1}, {transform_indices = #map}, {transform_indices = #map}]} {
    %mul3A = arith.constant 16 : i32
    %mul3A_0 = arith.muli %arg0, %mul3A : i32
    %add3A = arith.addi %mul3A_0, %arg1 : i32
    %broadcast_in_dim3A = arith.constant 0.000000e+00 : f32
    %broadcast_in_dim3A_1 = vector.broadcast %broadcast_in_dim3A : f32 to vector<16xf32>
    %scan3A = arith.constant 0 : i32
    %scan3A_2 = arith.constant 0 : i32
    %scan3A_3 = arith.constant 128 : i32
    %scan3A_4 = arith.addi %scan3A_2, %scan3A_3 : i32
    %scan3A_5 = arith.constant 1 : i32
    %scan3A_6 = scf.for %scan3A_37 = %scan3A_2 to %scan3A_4 step %scan3A_5 iter_args(%scan3A_38 = %scan3A) -> (i32)  : i32 {
      %swap3A = arith.index_cast %scan3A_37 : i32 to index
      %swap3A_39 = arith.constant 0 : index
      %swap3A_40 = tpu.vector_load %arg9[%swap3A, %swap3A_39] {strides = array<i32>} : memref<128x128xf32, #tpu.memory_space<vmem>>, vector<16xf32>,
      tpu.vector_store %arg9[%swap3A, %swap3A_39], %broadcast_in_dim3A_1 {strides = array<i32>} : memref<128x128xf32, #tpu.memory_space<vmem>>, vector<16xf32>,
      %swap3A_41 = arith.index_cast %scan3A_37 : i32 to index
      %swap3A_42 = arith.constant 16 : index
      %swap3A_43 = tpu.vector_load %arg9[%swap3A_41, %swap3A_42] {strides = array<i32>} : memref<128x128xf32, #tpu.memory_space<vmem>>, vector<16xf32>,
      tpu.vector_store %arg9[%swap3A_41, %swap3A_42], %broadcast_in_dim3A_1 {strides = array<i32>} : memref<128x128xf32, #tpu.memory_space<vmem>>, vector<16xf32>,
      %swap3A_44 = arith.index_cast %scan3A_37 : i32 to index
      %swap3A_45 = arith.constant 32 : index
      %swap3A_46 = tpu.vector_load %arg9[%swap3A_44, %swap3A_45] {strides = array<i32>} : memref<128x128xf32, #tpu.memory_space<vmem>>, vector<16xf32>,
      tpu.vector_store %arg9[%swap3A_44, %swap3A_45], %broadcast_in_dim3A_1 {strides = array<i32>} : memref<128x128xf32, #tpu.memory_space<vmem>>, vector<16xf32>,
      %swap3A_47 = arith.index_cast %scan3A_37 : i32 to index
      %swap3A_48 = arith.constant 48 : index
      %swap3A_49 = tpu.vector_load %arg9[%swap3A_47, %swap3A_48] {strides = array<i32>} : memref<128x128xf32, #tpu.memory_space<vmem>>, vector<16xf32>,
      tpu.vector_store %arg9[%swap3A_47, %swap3A_48], %broadcast_in_dim3A_1 {strides = array<i32>} : memref<128x128xf32, #tpu.memory_space<vmem>>, vector<16xf32>,
      %swap3A_50 = arith.index_cast %scan3A_37 : i32 to index
      %swap3A_51 = arith.constant 64 : index
      %swap3A_52 = tpu.vector_load %arg9[%swap3A_50, %swap3A_51] {strides = array<i32>} : memref<128x128xf32, #tpu.memory_space<vmem>>, vector<16xf32>,
      tpu.vector_store %arg9[%swap3A_50, %swap3A_51], %broadcast_in_dim3A_1 {strides = array<i32>} : memref<128x128xf32, #tpu.memory_space<vmem>>, vector<16xf32>,
      %swap3A_53 = arith.index_cast %scan3A_37 : i32 to index
      %swap3A_54 = arith.constant 80 : index
      %swap3A_55 = tpu.vector_load %arg9[%swap3A_53, %swap3A_54] {strides = array<i32>} : memref<128x128xf32, #tpu.memory_space<vmem>>, vector<16xf32>,
      tpu.vector_store %arg9[%swap3A_53, %swap3A_54], %broadcast_in_dim3A_1 {strides = array<i32>} : memref<128x128xf32, #tpu.memory_space<vmem>>, vector<16xf32>,
      %swap3A_56 = arith.index_cast %scan3A_37 : i32 to index
      %swap3A_57 = arith.constant 96 : index
      %swap3A_58 = tpu.vector_load %arg9[%swap3A_56, %swap3A_57] {strides = array<i32>} : memref<128x128xf32, #tpu.memory_space<vmem>>, vector<16xf32>,
      tpu.vector_store %arg9[%swap3A_56, %swap3A_57], %broadcast_in_dim3A_1 {strides = array<i32>} : memref<128x128xf32, #tpu.memory_space<vmem>>, vector<16xf32>,
      %swap3A_59 = arith.index_cast %scan3A_37 : i32 to index
      %swap3A_60 = arith.constant 112 : index
      %swap3A_61 = tpu.vector_load %arg9[%swap3A_59, %swap3A_60] {strides = array<i32>} : memref<128x128xf32, #tpu.memory_space<vmem>>, vector<16xf32>,
      tpu.vector_store %arg9[%swap3A_59, %swap3A_60], %broadcast_in_dim3A_1 {strides = array<i32>} : memref<128x128xf32, #tpu.memory_space<vmem>>, vector<16xf32>,
      %scan3A_62 = arith.constant 0 : i32
      scf.yield %scan3A_62 : i32
    }
    %scan3A_7 = arith.constant 128 : i32
    %scan3A_8 = arith.constant 0 : i32
    %scan3A_9 = arith.constant 0 : i32
    %scan3A_10 = arith.constant 80 : i32
    %scan3A_11 = arith.addi %scan3A_9, %scan3A_10 : i32
    %scan3A_12 = arith.constant 1 : i32
    %scan3A_13 = scf.for %scan3A_37 = %scan3A_9 to %scan3A_11 step %scan3A_12 iter_args(%scan3A_38 = %scan3A_8) -> (i32)  : i32 {
      %mul3A_39 = arith.constant 8 : i32
      %mul3A_40 = arith.muli %mul3A_39, %scan3A_37 : i32
      %add3A_41 = arith.constant 0 : i32
      %add3A_42 = arith.addi %mul3A_40, %add3A_41 : i32
      %mul3A_43 = arith.constant 16 : i32
      %mul3A_44 = arith.muli %add3A_42, %mul3A_43 : i32
      %swap3A = arith.index_cast %mul3A_44 : i32 to index
      %swap3A_45 = tpu.vector_load %arg10[%swap3A] {strides = array<i32>} : memref<10240xf32, #tpu.memory_space<vmem>>, vector<16xf32>,
      tpu.vector_store %arg10[%swap3A], %broadcast_in_dim3A_1 {strides = array<i32>} : memref<10240xf32, #tpu.memory_space<vmem>>, vector<16xf32>,
      %mul3A_46 = arith.constant 8 : i32
      %mul3A_47 = arith.muli %mul3A_46, %scan3A_37 : i32
      %add3A_48 = arith.constant 1 : i32
      %add3A_49 = arith.addi %mul3A_47, %add3A_48 : i32
      %mul3A_50 = arith.constant 16 : i32
      %mul3A_51 = arith.muli %add3A_49, %mul3A_50 : i32
      %swap3A_52 = arith.index_cast %mul3A_51 : i32 to index
      %swap3A_53 = tpu.vector_load %arg10[%swap3A_52] {strides = array<i32>} : memref<10240xf32, #tpu.memory_space<vmem>>, vector<16xf32>,
      tpu.vector_store %arg10[%swap3A_52], %broadcast_in_dim3A_1 {strides = array<i32>} : memref<10240xf32, #tpu.memory_space<vmem>>, vector<16xf32>,
      %mul3A_54 = arith.constant 8 : i32
      %mul3A_55 = arith.muli %mul3A_54, %scan3A_37 : i32
      %add3A_56 = arith.constant 2 : i32
      %add3A_57 = arith.addi %mul3A_55, %add3A_56 : i32
      %mul3A_58 = arith.constant 16 : i32
      %mul3A_59 = arith.muli %add3A_57, %mul3A_58 : i32
      %swap3A_60 = arith.index_cast %mul3A_59 : i32 to index
      %swap3A_61 = tpu.vector_load %arg10[%swap3A_60] {strides = array<i32>} : memref<10240xf32, #tpu.memory_space<vmem>>, vector<16xf32>,
      tpu.vector_store %arg10[%swap3A_60], %broadcast_in_dim3A_1 {strides = array<i32>} : memref<10240xf32, #tpu.memory_space<vmem>>, vector<16xf32>,
      %mul3A_62 = arith.constant 8 : i32
      %mul3A_63 = arith.muli %mul3A_62, %scan3A_37 : i32
      %add3A_64 = arith.constant 3 : i32
      %add3A_65 = arith.addi %mul3A_63, %add3A_64 : i32
      %mul3A_66 = arith.constant 16 : i32
      %mul3A_67 = arith.muli %add3A_65, %mul3A_66 : i32
      %swap3A_68 = arith.index_cast %mul3A_67 : i32 to index
      %swap3A_69 = tpu.vector_load %arg10[%swap3A_68] {strides = array<i32>} : memref<10240xf32, #tpu.memory_space<vmem>>, vector<16xf32>,
      tpu.vector_store %arg10[%swap3A_68], %broadcast_in_dim3A_1 {strides = array<i32>} : memref<10240xf32, #tpu.memory_space<vmem>>, vector<16xf32>,
      %mul3A_70 = arith.constant 8 : i32
      %mul3A_71 = arith.muli %mul3A_70, %scan3A_37 : i32
      %add3A_72 = arith.constant 4 : i32
      %add3A_73 = arith.addi %mul3A_71, %add3A_72 : i32
      %mul3A_74 = arith.constant 16 : i32
      %mul3A_75 = arith.muli %add3A_73, %mul3A_74 : i32
      %swap3A_76 = arith.index_cast %mul3A_75 : i32 to index
      %swap3A_77 = tpu.vector_load %arg10[%swap3A_76] {strides = array<i32>} : memref<10240xf32, #tpu.memory_space<vmem>>, vector<16xf32>,
      tpu.vector_store %arg10[%swap3A_76], %broadcast_in_dim3A_1 {strides = array<i32>} : memref<10240xf32, #tpu.memory_space<vmem>>, vector<16xf32>,
      %mul3A_78 = arith.constant 8 : i32
      %mul3A_79 = arith.muli %mul3A_78, %scan3A_37 : i32
      %add3A_80 = arith.constant 5 : i32
      %add3A_81 = arith.addi %mul3A_79, %add3A_80 : i32
      %mul3A_82 = arith.constant 16 : i32
      %mul3A_83 = arith.muli %add3A_81, %mul3A_82 : i32
      %swap3A_84 = arith.index_cast %mul3A_83 : i32 to index
      %swap3A_85 = tpu.vector_load %arg10[%swap3A_84] {strides = array<i32>} : memref<10240xf32, #tpu.memory_space<vmem>>, vector<16xf32>,
      tpu.vector_store %arg10[%swap3A_84], %broadcast_in_dim3A_1 {strides = array<i32>} : memref<10240xf32, #tpu.memory_space<vmem>>, vector<16xf32>,
      %mul3A_86 = arith.constant 8 : i32
      %mul3A_87 = arith.muli %mul3A_86, %scan3A_37 : i32
      %add3A_88 = arith.constant 6 : i32
      %add3A_89 = arith.addi %mul3A_87, %add3A_88 : i32
      %mul3A_90 = arith.constant 16 : i32
      %mul3A_91 = arith.muli %add3A_89, %mul3A_90 : i32
      %swap3A_92 = arith.index_cast %mul3A_91 : i32 to index
      %swap3A_93 = tpu.vector_load %arg10[%swap3A_92] {strides = array<i32>} : memref<10240xf32, #tpu.memory_space<vmem>>, vector<16xf32>,
      tpu.vector_store %arg10[%swap3A_92], %broadcast_in_dim3A_1 {strides = array<i32>} : memref<10240xf32, #tpu.memory_space<vmem>>, vector<16xf32>,
      %mul3A_94 = arith.constant 8 : i32
      %mul3A_95 = arith.muli %mul3A_94, %scan3A_37 : i32
      %add3A_96 = arith.constant 7 : i32
      %add3A_97 = arith.addi %mul3A_95, %add3A_96 : i32
      %mul3A_98 = arith.constant 16 : i32
      %mul3A_99 = arith.muli %add3A_97, %mul3A_98 : i32
      %swap3A_100 = arith.index_cast %mul3A_99 : i32 to index
      %swap3A_101 = tpu.vector_load %arg10[%swap3A_100] {strides = array<i32>} : memref<10240xf32, #tpu.memory_space<vmem>>, vector<16xf32>,
      tpu.vector_store %arg10[%swap3A_100], %broadcast_in_dim3A_1 {strides = array<i32>} : memref<10240xf32, #tpu.memory_space<vmem>>, vector<16xf32>,
      %scan3A_102 = arith.constant 0 : i32
      scf.yield %scan3A_102 : i32
    }
    %scan3A_14 = arith.constant 80 : i32
    %mul3A_15 = arith.constant 640 : i32
    %mul3A_16 = arith.muli %arg1, %mul3A_15 : i32
    %add3A_17 = arith.constant 0 : i32
    %add3A_18 = arith.addi %mul3A_16, %add3A_17 : i32
    "tpu.region"() ({
      %run_scoped3A = tpu.sem_alloc : memref<!tpu.dma_semaphore, #tpu.memory_space<semaphore_mem>>
      %dma_start3A = arith.constant 0 : i32
      %dma_start3A_37 = tpu.memref_slice %arg11[%add3A_18, %dma_start3A] : memref<10240x128xf32, #tpu.memory_space<vmem_shared>> -> memref<128x128xf32, #tpu.memory_space<vmem_shared>>
      %dma_start3A_38 = arith.constant 0 : i32
      %dma_start3A_39 = tpu.memref_slice %arg11[%add3A_18, %dma_start3A_38] : memref<10240x128xf32, #tpu.memory_space<vmem_shared>> -> memref<128x128xf32, #tpu.memory_space<vmem_shared>>
      tpu.enqueue_dma source(%arg9 : memref<128x128xf32, #tpu.memory_space<vmem>>) target(%dma_start3A_39 : memref<128x128xf32, #tpu.memory_space<vmem_shared>>) target_semaphore(%run_scoped3A : memref<!tpu.dma_semaphore, #tpu.memory_space<semaphore_mem>>)
      %dma_wait3A = arith.constant 0 : i32
      %dma_wait3A_40 = tpu.memref_slice %arg11[%add3A_18, %dma_wait3A] : memref<10240x128xf32, #tpu.memory_space<vmem_shared>> -> memref<128x128xf32, #tpu.memory_space<vmem_shared>>
      %dma_wait3A_41 = arith.constant 0 : i32
      %dma_wait3A_42 = tpu.memref_slice %arg11[%add3A_18, %dma_wait3A_41] : memref<10240x128xf32, #tpu.memory_space<vmem_shared>> -> memref<128x128xf32, #tpu.memory_space<vmem_shared>>
      tpu.wait_dma2 semaphore(%run_scoped3A : memref<!tpu.dma_semaphore, #tpu.memory_space<semaphore_mem>>) src(%arg9 : memref<128x128xf32, #tpu.memory_space<vmem>>) dst(%dma_wait3A_42 : memref<128x128xf32, #tpu.memory_space<vmem_shared>>)
      tpu.yield
    }) : () -> ()
    %add3A_19 = arith.constant 128 : i32
    %add3A_20 = arith.addi %mul3A_16, %add3A_19 : i32
    "tpu.region"() ({
      %run_scoped3A = tpu.sem_alloc : memref<!tpu.dma_semaphore, #tpu.memory_space<semaphore_mem>>
      %dma_start3A = arith.constant 0 : i32
      %dma_start3A_37 = tpu.memref_slice %arg11[%add3A_20, %dma_start3A] : memref<10240x128xf32, #tpu.memory_space<vmem_shared>> -> memref<128x128xf32, #tpu.memory_space<vmem_shared>>
      %dma_start3A_38 = arith.constant 0 : i32
      %dma_start3A_39 = tpu.memref_slice %arg11[%add3A_20, %dma_start3A_38] : memref<10240x128xf32, #tpu.memory_space<vmem_shared>> -> memref<128x128xf32, #tpu.memory_space<vmem_shared>>
      tpu.enqueue_dma source(%arg9 : memref<128x128xf32, #tpu.memory_space<vmem>>) target(%dma_start3A_39 : memref<128x128xf32, #tpu.memory_space<vmem_shared>>) target_semaphore(%run_scoped3A : memref<!tpu.dma_semaphore, #tpu.memory_space<semaphore_mem>>)
      %dma_wait3A = arith.constant 0 : i32
      %dma_wait3A_40 = tpu.memref_slice %arg11[%add3A_20, %dma_wait3A] : memref<10240x128xf32, #tpu.memory_space<vmem_shared>> -> memref<128x128xf32, #tpu.memory_space<vmem_shared>>
      %dma_wait3A_41 = arith.constant 0 : i32
      %dma_wait3A_42 = tpu.memref_slice %arg11[%add3A_20, %dma_wait3A_41] : memref<10240x128xf32, #tpu.memory_space<vmem_shared>> -> memref<128x128xf32, #tpu.memory_space<vmem_shared>>
      tpu.wait_dma2 semaphore(%run_scoped3A : memref<!tpu.dma_semaphore, #tpu.memory_space<semaphore_mem>>) src(%arg9 : memref<128x128xf32, #tpu.memory_space<vmem>>) dst(%dma_wait3A_42 : memref<128x128xf32, #tpu.memory_space<vmem_shared>>)
      tpu.yield
    }) : () -> ()
    %add3A_21 = arith.constant 256 : i32
    %add3A_22 = arith.addi %mul3A_16, %add3A_21 : i32
    "tpu.region"() ({
      %run_scoped3A = tpu.sem_alloc : memref<!tpu.dma_semaphore, #tpu.memory_space<semaphore_mem>>
      %dma_start3A = arith.constant 0 : i32
      %dma_start3A_37 = tpu.memref_slice %arg11[%add3A_22, %dma_start3A] : memref<10240x128xf32, #tpu.memory_space<vmem_shared>> -> memref<128x128xf32, #tpu.memory_space<vmem_shared>>
      %dma_start3A_38 = arith.constant 0 : i32
      %dma_start3A_39 = tpu.memref_slice %arg11[%add3A_22, %dma_start3A_38] : memref<10240x128xf32, #tpu.memory_space<vmem_shared>> -> memref<128x128xf32, #tpu.memory_space<vmem_shared>>
      tpu.enqueue_dma source(%arg9 : memref<128x128xf32, #tpu.memory_space<vmem>>) target(%dma_start3A_39 : memref<128x128xf32, #tpu.memory_space<vmem_shared>>) target_semaphore(%run_scoped3A : memref<!tpu.dma_semaphore, #tpu.memory_space<semaphore_mem>>)
      %dma_wait3A = arith.constant 0 : i32
      %dma_wait3A_40 = tpu.memref_slice %arg11[%add3A_22, %dma_wait3A] : memref<10240x128xf32, #tpu.memory_space<vmem_shared>> -> memref<128x128xf32, #tpu.memory_space<vmem_shared>>
      %dma_wait3A_41 = arith.constant 0 : i32
      %dma_wait3A_42 = tpu.memref_slice %arg11[%add3A_22, %dma_wait3A_41] : memref<10240x128xf32, #tpu.memory_space<vmem_shared>> -> memref<128x128xf32, #tpu.memory_space<vmem_shared>>
      tpu.wait_dma2 semaphore(%run_scoped3A : memref<!tpu.dma_semaphore, #tpu.memory_space<semaphore_mem>>) src(%arg9 : memref<128x128xf32, #tpu.memory_space<vmem>>) dst(%dma_wait3A_42 : memref<128x128xf32, #tpu.memory_space<vmem_shared>>)
      tpu.yield
    }) : () -> ()
    %add3A_23 = arith.constant 384 : i32
    %add3A_24 = arith.addi %mul3A_16, %add3A_23 : i32
    "tpu.region"() ({
      %run_scoped3A = tpu.sem_alloc : memref<!tpu.dma_semaphore, #tpu.memory_space<semaphore_mem>>
      %dma_start3A = arith.constant 0 : i32
      %dma_start3A_37 = tpu.memref_slice %arg11[%add3A_24, %dma_start3A] : memref<10240x128xf32, #tpu.memory_space<vmem_shared>> -> memref<128x128xf32, #tpu.memory_space<vmem_shared>>
      %dma_start3A_38 = arith.constant 0 : i32
      %dma_start3A_39 = tpu.memref_slice %arg11[%add3A_24, %dma_start3A_38] : memref<10240x128xf32, #tpu.memory_space<vmem_shared>> -> memref<128x128xf32, #tpu.memory_space<vmem_shared>>
      tpu.enqueue_dma source(%arg9 : memref<128x128xf32, #tpu.memory_space<vmem>>) target(%dma_start3A_39 : memref<128x128xf32, #tpu.memory_space<vmem_shared>>) target_semaphore(%run_scoped3A : memref<!tpu.dma_semaphore, #tpu.memory_space<semaphore_mem>>)
      %dma_wait3A = arith.constant 0 : i32
      %dma_wait3A_40 = tpu.memref_slice %arg11[%add3A_24, %dma_wait3A] : memref<10240x128xf32, #tpu.memory_space<vmem_shared>> -> memref<128x128xf32, #tpu.memory_space<vmem_shared>>
      %dma_wait3A_41 = arith.constant 0 : i32
      %dma_wait3A_42 = tpu.memref_slice %arg11[%add3A_24, %dma_wait3A_41] : memref<10240x128xf32, #tpu.memory_space<vmem_shared>> -> memref<128x128xf32, #tpu.memory_space<vmem_shared>>
      tpu.wait_dma2 semaphore(%run_scoped3A : memref<!tpu.dma_semaphore, #tpu.memory_space<semaphore_mem>>) src(%arg9 : memref<128x128xf32, #tpu.memory_space<vmem>>) dst(%dma_wait3A_42 : memref<128x128xf32, #tpu.memory_space<vmem_shared>>)
      tpu.yield
    }) : () -> ()
    %add3A_25 = arith.constant 512 : i32
    %add3A_26 = arith.addi %mul3A_16, %add3A_25 : i32
    "tpu.region"() ({
      %run_scoped3A = tpu.sem_alloc : memref<!tpu.dma_semaphore, #tpu.memory_space<semaphore_mem>>
      %dma_start3A = arith.constant 0 : i32
      %dma_start3A_37 = tpu.memref_slice %arg11[%add3A_26, %dma_start3A] : memref<10240x128xf32, #tpu.memory_space<vmem_shared>> -> memref<128x128xf32, #tpu.memory_space<vmem_shared>>
      %dma_start3A_38 = arith.constant 0 : i32
      %dma_start3A_39 = tpu.memref_slice %arg11[%add3A_26, %dma_start3A_38] : memref<10240x128xf32, #tpu.memory_space<vmem_shared>> -> memref<128x128xf32, #tpu.memory_space<vmem_shared>>
      tpu.enqueue_dma source(%arg9 : memref<128x128xf32, #tpu.memory_space<vmem>>) target(%dma_start3A_39 : memref<128x128xf32, #tpu.memory_space<vmem_shared>>) target_semaphore(%run_scoped3A : memref<!tpu.dma_semaphore, #tpu.memory_space<semaphore_mem>>)
      %dma_wait3A = arith.constant 0 : i32
      %dma_wait3A_40 = tpu.memref_slice %arg11[%add3A_26, %dma_wait3A] : memref<10240x128xf32, #tpu.memory_space<vmem_shared>> -> memref<128x128xf32, #tpu.memory_space<vmem_shared>>
      %dma_wait3A_41 = arith.constant 0 : i32
      %dma_wait3A_42 = tpu.memref_slice %arg11[%add3A_26, %dma_wait3A_41] : memref<10240x128xf32, #tpu.memory_space<vmem_shared>> -> memref<128x128xf32, #tpu.memory_space<vmem_shared>>
      tpu.wait_dma2 semaphore(%run_scoped3A : memref<!tpu.dma_semaphore, #tpu.memory_space<semaphore_mem>>) src(%arg9 : memref<128x128xf32, #tpu.memory_space<vmem>>) dst(%dma_wait3A_42 : memref<128x128xf32, #tpu.memory_space<vmem_shared>>)
      tpu.yield
    }) : () -> ()
    %barrier3A = arith.constant 0 : index
    tpu.barrier barrier_id(%barrier3A)
    "tpu.region"() ({
      %run_scoped3A = tpu.sem_alloc : memref<!tpu.dma_semaphore, #tpu.memory_space<semaphore_mem>>
      %dma_start3A = arith.constant 0 : i32
      %dma_start3A_37 = arith.constant 0 : i32
      %dma_start3A_38 = tpu.memref_slice %arg2[%add3A, %dma_start3A, %dma_start3A_37] : memref<32x79x128xi32, #tpu.memory_space<hbm>> -> memref<1x79x128xi32, #tpu.memory_space<hbm>>
      %dma_start3A_39 = tpu.memref_squeeze %dma_start3A_38 : memref<1x79x128xi32, #tpu.memory_space<hbm>> -> memref<79x128xi32, #tpu.memory_space<hbm>>
      %dma_start3A_40 = arith.constant 0 : i32
      %dma_start3A_41 = arith.constant 0 : i32
      %dma_start3A_42 = tpu.memref_slice %arg2[%add3A, %dma_start3A_40, %dma_start3A_41] : memref<32x79x128xi32, #tpu.memory_space<hbm>> -> memref<1x79x128xi32, #tpu.memory_space<hbm>>
      %dma_start3A_43 = tpu.memref_squeeze %dma_start3A_42 : memref<1x79x128xi32, #tpu.memory_space<hbm>> -> memref<79x128xi32, #tpu.memory_space<hbm>>
      tpu.enqueue_dma source(%dma_start3A_43 : memref<79x128xi32, #tpu.memory_space<hbm>>) target(%arg7 : memref<79x128xi32, #tpu.memory_space<vmem>>) target_semaphore(%run_scoped3A : memref<!tpu.dma_semaphore, #tpu.memory_space<semaphore_mem>>)
      %dma_wait3A = arith.constant 0 : i32
      %dma_wait3A_44 = arith.constant 0 : i32
      %dma_wait3A_45 = tpu.memref_slice %arg2[%add3A, %dma_wait3A, %dma_wait3A_44] : memref<32x79x128xi32, #tpu.memory_space<hbm>> -> memref<1x79x128xi32, #tpu.memory_space<hbm>>
      %dma_wait3A_46 = tpu.memref_squeeze %dma_wait3A_45 : memref<1x79x128xi32, #tpu.memory_space<hbm>> -> memref<79x128xi32, #tpu.memory_space<hbm>>
      %dma_wait3A_47 = arith.constant 0 : i32
      %dma_wait3A_48 = arith.constant 0 : i32
      %dma_wait3A_49 = tpu.memref_slice %arg2[%add3A, %dma_wait3A_47, %dma_wait3A_48] : memref<32x79x128xi32, #tpu.memory_space<hbm>> -> memref<1x79x128xi32, #tpu.memory_space<hbm>>
      %dma_wait3A_50 = tpu.memref_squeeze %dma_wait3A_49 : memref<1x79x128xi32, #tpu.memory_space<hbm>> -> memref<79x128xi32, #tpu.memory_space<hbm>>
      tpu.wait_dma2 semaphore(%run_scoped3A : memref<!tpu.dma_semaphore, #tpu.memory_space<semaphore_mem>>) src(%dma_wait3A_50 : memref<79x128xi32, #tpu.memory_space<hbm>>) dst(%arg7 : memref<79x128xi32, #tpu.memory_space<vmem>>)
      tpu.yield
    }) : () -> ()
    "tpu.region"() ({
      %run_scoped3A = tpu.sem_alloc : memref<!tpu.dma_semaphore, #tpu.memory_space<semaphore_mem>>
      %dma_start3A = arith.constant 0 : i32
      %dma_start3A_37 = arith.constant 0 : i32
      %dma_start3A_38 = tpu.memref_slice %arg3[%add3A, %dma_start3A, %dma_start3A_37] : memref<32x79x128xi32, #tpu.memory_space<hbm>> -> memref<1x79x128xi32, #tpu.memory_space<hbm>>
      %dma_start3A_39 = tpu.memref_squeeze %dma_start3A_38 : memref<1x79x128xi32, #tpu.memory_space<hbm>> -> memref<79x128xi32, #tpu.memory_space<hbm>>
      %dma_start3A_40 = arith.constant 0 : i32
      %dma_start3A_41 = arith.constant 0 : i32
      %dma_start3A_42 = tpu.memref_slice %arg3[%add3A, %dma_start3A_40, %dma_start3A_41] : memref<32x79x128xi32, #tpu.memory_space<hbm>> -> memref<1x79x128xi32, #tpu.memory_space<hbm>>
      %dma_start3A_43 = tpu.memref_squeeze %dma_start3A_42 : memref<1x79x128xi32, #tpu.memory_space<hbm>> -> memref<79x128xi32, #tpu.memory_space<hbm>>
      tpu.enqueue_dma source(%dma_start3A_43 : memref<79x128xi32, #tpu.memory_space<hbm>>) target(%arg8 : memref<79x128xi32, #tpu.memory_space<vmem>>) target_semaphore(%run_scoped3A : memref<!tpu.dma_semaphore, #tpu.memory_space<semaphore_mem>>)
      %dma_wait3A = arith.constant 0 : i32
      %dma_wait3A_44 = arith.constant 0 : i32
      %dma_wait3A_45 = tpu.memref_slice %arg3[%add3A, %dma_wait3A, %dma_wait3A_44] : memref<32x79x128xi32, #tpu.memory_space<hbm>> -> memref<1x79x128xi32, #tpu.memory_space<hbm>>
      %dma_wait3A_46 = tpu.memref_squeeze %dma_wait3A_45 : memref<1x79x128xi32, #tpu.memory_space<hbm>> -> memref<79x128xi32, #tpu.memory_space<hbm>>
      %dma_wait3A_47 = arith.constant 0 : i32
      %dma_wait3A_48 = arith.constant 0 : i32
      %dma_wait3A_49 = tpu.memref_slice %arg3[%add3A, %dma_wait3A_47, %dma_wait3A_48] : memref<32x79x128xi32, #tpu.memory_space<hbm>> -> memref<1x79x128xi32, #tpu.memory_space<hbm>>
      %dma_wait3A_50 = tpu.memref_squeeze %dma_wait3A_49 : memref<1x79x128xi32, #tpu.memory_space<hbm>> -> memref<79x128xi32, #tpu.memory_space<hbm>>
      tpu.wait_dma2 semaphore(%run_scoped3A : memref<!tpu.dma_semaphore, #tpu.memory_space<semaphore_mem>>) src(%dma_wait3A_50 : memref<79x128xi32, #tpu.memory_space<hbm>>) dst(%arg8 : memref<79x128xi32, #tpu.memory_space<vmem>>)
      tpu.yield
    }) : () -> ()
    %broadcast_in_dim3A_27 = arith.constant 1.000000e+00 : f32
    %broadcast_in_dim3A_28 = vector.broadcast %broadcast_in_dim3A_27 : f32 to vector<16xf32>
    %scan3A_29 = arith.constant 0 : i32
    %scan3A_30 = arith.constant 0 : i32
    %scan3A_31 = arith.constant 79 : i32
    %scan3A_32 = arith.addi %scan3A_30, %scan3A_31 : i32
    %scan3A_33 = arith.constant 1 : i32
    %scan3A_34 = scf.for %scan3A_37 = %scan3A_30 to %scan3A_32 step %scan3A_33 iter_args(%scan3A_38 = %scan3A_29) -> (i32)  : i32 {
      %dma_start3A = arith.constant 0 : i32
      %dma_start3A_39 = tpu.memref_slice %arg7[%scan3A_37, %dma_start3A] : memref<79x128xi32, #tpu.memory_space<vmem>> -> memref<1x128xi32, #tpu.memory_space<vmem>>
      %dma_start3A_40 = tpu.memref_squeeze %dma_start3A_39 : memref<1x128xi32, #tpu.memory_space<vmem>> -> memref<128xi32, #tpu.memory_space<vmem>>
      %dma_start3A_41 = arith.constant 0 : i32
      %dma_start3A_42 = arith.constant 0 : i32
      %dma_start3A_43 = tpu.memref_slice %arg4[%dma_start3A_41, %dma_start3A_42] : memref<10000x128xf32, #tpu.memory_space<hbm>> -> memref<10000x128xf32, #tpu.memory_space<hbm>>
      tpu.enqueue_indirect_dma source(%dma_start3A_43 : memref<10000x128xf32, #tpu.memory_space<hbm>>) target(%arg9 : memref<128x128xf32, #tpu.memory_space<vmem>>) offsets(%dma_start3A_40 : memref<128xi32, #tpu.memory_space<vmem>>) semaphore(%arg12 : memref<!tpu.dma_semaphore, #tpu.memory_space<semaphore_mem>>)
      %get3A = arith.index_cast %scan3A_37 : i32 to index
      %get3A_44 = arith.constant 0 : index
      %get3A_45 = tpu.vector_load %arg8[%get3A, %get3A_44] {strides = array<i32>} : memref<79x128xi32, #tpu.memory_space<vmem>>, vector<16xi32>,
      tpu.vector_store_idx %arg10[%get3A_45], %broadcast_in_dim3A_28 {add = true} : memref<10240xf32, #tpu.memory_space<vmem>>[vector<16xi32>], vector<16xf32>,
      %get3A_46 = arith.index_cast %scan3A_37 : i32 to index
      %get3A_47 = arith.constant 16 : index
      %get3A_48 = tpu.vector_load %arg8[%get3A_46, %get3A_47] {strides = array<i32>} : memref<79x128xi32, #tpu.memory_space<vmem>>, vector<16xi32>,
      tpu.vector_store_idx %arg10[%get3A_48], %broadcast_in_dim3A_28 {add = true} : memref<10240xf32, #tpu.memory_space<vmem>>[vector<16xi32>], vector<16xf32>,
      %get3A_49 = arith.index_cast %scan3A_37 : i32 to index
      %get3A_50 = arith.constant 32 : index
      %get3A_51 = tpu.vector_load %arg8[%get3A_49, %get3A_50] {strides = array<i32>} : memref<79x128xi32, #tpu.memory_space<vmem>>, vector<16xi32>,
      tpu.vector_store_idx %arg10[%get3A_51], %broadcast_in_dim3A_28 {add = true} : memref<10240xf32, #tpu.memory_space<vmem>>[vector<16xi32>], vector<16xf32>,
      %get3A_52 = arith.index_cast %scan3A_37 : i32 to index
      %get3A_53 = arith.constant 48 : index
      %get3A_54 = tpu.vector_load %arg8[%get3A_52, %get3A_53] {strides = array<i32>} : memref<79x128xi32, #tpu.memory_space<vmem>>, vector<16xi32>,
      tpu.vector_store_idx %arg10[%get3A_54], %broadcast_in_dim3A_28 {add = true} : memref<10240xf32, #tpu.memory_space<vmem>>[vector<16xi32>], vector<16xf32>,
      %get3A_55 = arith.index_cast %scan3A_37 : i32 to index
      %get3A_56 = arith.constant 64 : index
      %get3A_57 = tpu.vector_load %arg8[%get3A_55, %get3A_56] {strides = array<i32>} : memref<79x128xi32, #tpu.memory_space<vmem>>, vector<16xi32>,
      tpu.vector_store_idx %arg10[%get3A_57], %broadcast_in_dim3A_28 {add = true} : memref<10240xf32, #tpu.memory_space<vmem>>[vector<16xi32>], vector<16xf32>,
      %get3A_58 = arith.index_cast %scan3A_37 : i32 to index
      %get3A_59 = arith.constant 80 : index
      %get3A_60 = tpu.vector_load %arg8[%get3A_58, %get3A_59] {strides = array<i32>} : memref<79x128xi32, #tpu.memory_space<vmem>>, vector<16xi32>,
      tpu.vector_store_idx %arg10[%get3A_60], %broadcast_in_dim3A_28 {add = true} : memref<10240xf32, #tpu.memory_space<vmem>>[vector<16xi32>], vector<16xf32>,
      %get3A_61 = arith.index_cast %scan3A_37 : i32 to index
      %get3A_62 = arith.constant 96 : index
      %get3A_63 = tpu.vector_load %arg8[%get3A_61, %get3A_62] {strides = array<i32>} : memref<79x128xi32, #tpu.memory_space<vmem>>, vector<16xi32>,
      tpu.vector_store_idx %arg10[%get3A_63], %broadcast_in_dim3A_28 {add = true} : memref<10240xf32, #tpu.memory_space<vmem>>[vector<16xi32>], vector<16xf32>,
      %get3A_64 = arith.index_cast %scan3A_37 : i32 to index
      %get3A_65 = arith.constant 112 : index
      %get3A_66 = tpu.vector_load %arg8[%get3A_64, %get3A_65] {strides = array<i32>} : memref<79x128xi32, #tpu.memory_space<vmem>>, vector<16xi32>,
      tpu.vector_store_idx %arg10[%get3A_66], %broadcast_in_dim3A_28 {add = true} : memref<10240xf32, #tpu.memory_space<vmem>>[vector<16xi32>], vector<16xf32>,
      %dma_wait3A = arith.constant 0 : i32
      %dma_wait3A_67 = tpu.memref_slice %arg7[%scan3A_37, %dma_wait3A] : memref<79x128xi32, #tpu.memory_space<vmem>> -> memref<1x128xi32, #tpu.memory_space<vmem>>
      %dma_wait3A_68 = tpu.memref_squeeze %dma_wait3A_67 : memref<1x128xi32, #tpu.memory_space<vmem>> -> memref<128xi32, #tpu.memory_space<vmem>>
      %dma_wait3A_69 = arith.constant 0 : i32
      %dma_wait3A_70 = arith.constant 0 : i32
      %dma_wait3A_71 = tpu.memref_slice %arg4[%dma_wait3A_69, %dma_wait3A_70] : memref<10000x128xf32, #tpu.memory_space<hbm>> -> memref<10000x128xf32, #tpu.memory_space<hbm>>
      tpu.wait_indirect_dma semaphore(%arg12 : memref<!tpu.dma_semaphore, #tpu.memory_space<semaphore_mem>>) src(%dma_wait3A_71 : memref<10000x128xf32, #tpu.memory_space<hbm>>) dst(%arg9 : memref<128x128xf32, #tpu.memory_space<vmem>>)
      "tpu.region"() ({
        %run_scoped3A = tpu.sem_alloc : memref<!tpu.dma_semaphore, #tpu.memory_space<semaphore_mem>>
        %dma_start3A_73 = arith.constant 0 : i32
        %dma_start3A_74 = tpu.memref_slice %arg8[%scan3A_37, %dma_start3A_73] : memref<79x128xi32, #tpu.memory_space<vmem>> -> memref<1x128xi32, #tpu.memory_space<vmem>>
        %dma_start3A_75 = tpu.memref_squeeze %dma_start3A_74 : memref<1x128xi32, #tpu.memory_space<vmem>> -> memref<128xi32, #tpu.memory_space<vmem>>
        %dma_start3A_76 = arith.constant 0 : i32
        %dma_start3A_77 = arith.constant 0 : i32
        %dma_start3A_78 = tpu.memref_slice %arg11[%dma_start3A_76, %dma_start3A_77] : memref<10240x128xf32, #tpu.memory_space<vmem_shared>> -> memref<10240x128xf32, #tpu.memory_space<vmem_shared>>
        tpu.enqueue_indirect_dma source(%arg9 : memref<128x128xf32, #tpu.memory_space<vmem>>) target(%dma_start3A_78 : memref<10240x128xf32, #tpu.memory_space<vmem_shared>>) offsets(%dma_start3A_75 : memref<128xi32, #tpu.memory_space<vmem>>) semaphore(%run_scoped3A : memref<!tpu.dma_semaphore, #tpu.memory_space<semaphore_mem>>) {add = true}
        %dma_wait3A_79 = arith.constant 0 : i32
        %dma_wait3A_80 = tpu.memref_slice %arg8[%scan3A_37, %dma_wait3A_79] : memref<79x128xi32, #tpu.memory_space<vmem>> -> memref<1x128xi32, #tpu.memory_space<vmem>>
        %dma_wait3A_81 = tpu.memref_squeeze %dma_wait3A_80 : memref<1x128xi32, #tpu.memory_space<vmem>> -> memref<128xi32, #tpu.memory_space<vmem>>
        %dma_wait3A_82 = arith.constant 0 : i32
        %dma_wait3A_83 = arith.constant 0 : i32
        %dma_wait3A_84 = tpu.memref_slice %arg11[%dma_wait3A_82, %dma_wait3A_83] : memref<10240x128xf32, #tpu.memory_space<vmem_shared>> -> memref<10240x128xf32, #tpu.memory_space<vmem_shared>>
        tpu.wait_indirect_dma semaphore(%run_scoped3A : memref<!tpu.dma_semaphore, #tpu.memory_space<semaphore_mem>>) src(%arg9 : memref<128x128xf32, #tpu.memory_space<vmem>>) dst(%dma_wait3A_84 : memref<10240x128xf32, #tpu.memory_space<vmem_shared>>)
        tpu.yield
      }) : () -> ()
      %scan3A_72 = arith.constant 0 : i32
      scf.yield %scan3A_72 : i32
    }
    %scan3A_35 = arith.constant 79 : i32
    "tpu.region"() ({
      %run_scoped3A = tpu.sem_alloc : memref<!tpu.dma_semaphore, #tpu.memory_space<semaphore_mem>>
      %dma_start3A = arith.constant 0 : i32
      %dma_start3A_37 = tpu.memref_slice %arg6[%arg0, %arg1, %dma_start3A] : memref<2x16x10240xf32, #tpu.memory_space<hbm>> -> memref<1x1x10240xf32, #tpu.memory_space<hbm>>
      %dma_start3A_38 = tpu.memref_squeeze %dma_start3A_37 : memref<1x1x10240xf32, #tpu.memory_space<hbm>> -> memref<10240xf32, #tpu.memory_space<hbm>>
      %dma_start3A_39 = arith.constant 0 : i32
      %dma_start3A_40 = tpu.memref_slice %arg6[%arg0, %arg1, %dma_start3A_39] : memref<2x16x10240xf32, #tpu.memory_space<hbm>> -> memref<1x1x10240xf32, #tpu.memory_space<hbm>>
      %dma_start3A_41 = tpu.memref_squeeze %dma_start3A_40 : memref<1x1x10240xf32, #tpu.memory_space<hbm>> -> memref<10240xf32, #tpu.memory_space<hbm>>
      tpu.enqueue_dma source(%arg10 : memref<10240xf32, #tpu.memory_space<vmem>>) target(%dma_start3A_41 : memref<10240xf32, #tpu.memory_space<hbm>>) target_semaphore(%run_scoped3A : memref<!tpu.dma_semaphore, #tpu.memory_space<semaphore_mem>>)
      %dma_wait3A = arith.constant 0 : i32
      %dma_wait3A_42 = tpu.memref_slice %arg6[%arg0, %arg1, %dma_wait3A] : memref<2x16x10240xf32, #tpu.memory_space<hbm>> -> memref<1x1x10240xf32, #tpu.memory_space<hbm>>
      %dma_wait3A_43 = tpu.memref_squeeze %dma_wait3A_42 : memref<1x1x10240xf32, #tpu.memory_space<hbm>> -> memref<10240xf32, #tpu.memory_space<hbm>>
      %dma_wait3A_44 = arith.constant 0 : i32
      %dma_wait3A_45 = tpu.memref_slice %arg6[%arg0, %arg1, %dma_wait3A_44] : memref<2x16x10240xf32, #tpu.memory_space<hbm>> -> memref<1x1x10240xf32, #tpu.memory_space<hbm>>
      %dma_wait3A_46 = tpu.memref_squeeze %dma_wait3A_45 : memref<1x1x10240xf32, #tpu.memory_space<hbm>> -> memref<10240xf32, #tpu.memory_space<hbm>>
      tpu.wait_dma2 semaphore(%run_scoped3A : memref<!tpu.dma_semaphore, #tpu.memory_space<semaphore_mem>>) src(%arg10 : memref<10240xf32, #tpu.memory_space<vmem>>) dst(%dma_wait3A_46 : memref<10240xf32, #tpu.memory_space<hbm>>)
      tpu.yield
    }) : () -> ()
    %barrier3A_36 = arith.constant 0 : index
    tpu.barrier barrier_id(%barrier3A_36)
    "tpu.region"() ({
      %run_scoped3A = tpu.sem_alloc : memref<!tpu.dma_semaphore, #tpu.memory_space<semaphore_mem>>
      %dma_start3A = arith.constant 0 : i32
      %dma_start3A_37 = tpu.memref_slice %arg5[%arg0, %mul3A_16, %dma_start3A] : memref<2x10240x128xf32, #tpu.memory_space<hbm>> -> memref<1x640x128xf32, #tpu.memory_space<hbm>>
      %dma_start3A_38 = tpu.memref_squeeze %dma_start3A_37 : memref<1x640x128xf32, #tpu.memory_space<hbm>> -> memref<640x128xf32, #tpu.memory_space<hbm>>
      %dma_start3A_39 = arith.constant 0 : i32
      %dma_start3A_40 = tpu.memref_slice %arg11[%mul3A_16, %dma_start3A_39] : memref<10240x128xf32, #tpu.memory_space<vmem_shared>> -> memref<640x128xf32, #tpu.memory_space<vmem_shared>>
      tpu.enqueue_dma source(%dma_start3A_40 : memref<640x128xf32, #tpu.memory_space<vmem_shared>>) target(%dma_start3A_38 : memref<640x128xf32, #tpu.memory_space<hbm>>) target_semaphore(%run_scoped3A : memref<!tpu.dma_semaphore, #tpu.memory_space<semaphore_mem>>)
      %dma_wait3A = arith.constant 0 : i32
      %dma_wait3A_41 = tpu.memref_slice %arg5[%arg0, %mul3A_16, %dma_wait3A] : memref<2x10240x128xf32, #tpu.memory_space<hbm>> -> memref<1x640x128xf32, #tpu.memory_space<hbm>>
      %dma_wait3A_42 = tpu.memref_squeeze %dma_wait3A_41 : memref<1x640x128xf32, #tpu.memory_space<hbm>> -> memref<640x128xf32, #tpu.memory_space<hbm>>
      %dma_wait3A_43 = arith.constant 0 : i32
      %dma_wait3A_44 = tpu.memref_slice %arg11[%mul3A_16, %dma_wait3A_43] : memref<10240x128xf32, #tpu.memory_space<vmem_shared>> -> memref<640x128xf32, #tpu.memory_space<vmem_shared>>
      tpu.wait_dma2 semaphore(%run_scoped3A : memref<!tpu.dma_semaphore, #tpu.memory_space<semaphore_mem>>) src(%dma_wait3A_44 : memref<640x128xf32, #tpu.memory_space<vmem_shared>>) dst(%dma_wait3A_42 : memref<640x128xf32, #tpu.memory_space<hbm>>)
      tpu.yield
    }) : () -> ()
    return
  }
}

module attributes {stable_mosaic.version = 14 : i64} {
  func.func @body(%arg0: i32, %arg1: memref<2048x128xf32, #tpu.memory_space<vmem>>, %arg2: memref<2048x128xf32, #tpu.memory_space<vmem>>, %arg3: memref<32x2048xf32, #tpu.memory_space<vmem>>, %arg4: memref<128x128xf32, #tpu.memory_space<vmem>>, %arg5: memref<1x128xf32, #tpu.memory_space<vmem>>, %arg6: memref<2048x128xf32, #tpu.memory_space<vmem>>) attributes {dimension_semantics = [#tpu.dimension_semantics<arbitrary>], iteration_bounds = array<i64: 5>, scalar_prefetch = 0 : i64, scratch_operands = 0 : i64, tpu.core_type = #tpu.core_type<tc>, window_params = [{transform_indices = @transform_0, window_bounds = array<i64: 2048, 128>}, {transform_indices = @transform_1, window_bounds = array<i64: 2048, 128>}, {transform_indices = @transform_2, window_bounds = array<i64: 32, 2048>}, {pipeline_mode = #tpu.pipeline_mode<synchronous>, transform_indices = @transform_3, window_bounds = array<i64: 128, 128>}, {pipeline_mode = #tpu.pipeline_mode<synchronous>, transform_indices = @transform_4, window_bounds = array<i64: 1, 128>}, {transform_indices = @transform_5, window_bounds = array<i64: 2048, 128>}]} {
    %get3A = arith.constant 0 : index
    %get3A_0 = arith.constant 0 : index
    %get3A_1 = vector.load %arg1[%get3A, %get3A_0] : memref<2048x128xf32, #tpu.memory_space<vmem>>, vector<2048x128xf32>
    %get3A_2 = arith.constant 0 : index
    %get3A_3 = arith.constant 0 : index
    %get3A_4 = vector.load %arg2[%get3A_2, %get3A_3] : memref<2048x128xf32, #tpu.memory_space<vmem>>, vector<2048x128xf32>
    %add3A = arith.addf %get3A_1, %get3A_4 : vector<2048x128xf32>
    %get3A_5 = arith.constant 0 : index
    %get3A_6 = arith.constant 0 : index
    %get3A_7 = vector.load %arg3[%get3A_5, %get3A_6] : memref<32x2048xf32, #tpu.memory_space<vmem>>, vector<32x2048xf32>
    %reduce_sum3A = arith.constant dense<0.000000e+00> : vector<2048xf32>
    %reduce_sum3A_8 = vector.multi_reduction <add>, %get3A_7, %reduce_sum3A [0] : vector<32x2048xf32> to vector<2048xf32>
    %broadcast_in_dim3A = vector.shape_cast %reduce_sum3A_8 : vector<2048xf32> to vector<2048x1xf32>
    %max3A = arith.constant 1.000000e+00 : f32
    %max3A_9 = vector.broadcast %max3A : f32 to vector<2048x1xf32>
    %max3A_10 = arith.maximumf %broadcast_in_dim3A, %max3A_9 : vector<2048x1xf32>
    %div3A = vector.broadcast %max3A_10 : vector<2048x1xf32> to vector<2048x128xf32>
    %div3A_11 = arith.divf %add3A, %div3A : vector<2048x128xf32>
    %get3A_12 = arith.constant 0 : index
    %get3A_13 = arith.constant 0 : index
    %get3A_14 = vector.load %arg4[%get3A_12, %get3A_13] : memref<128x128xf32, #tpu.memory_space<vmem>>, vector<128x128xf32>
    %dot_general3A = arith.constant dense<0.000000e+00> : vector<2048x128xf32>
    %dot_general3A_15 = tpu.matmul %div3A_11, %get3A_14, %dot_general3A {dimension_numbers = #tpu.dot_dimension_numbers<[1], [0], [0], [1], [0, 0, 1, 1], [], []>, precision = #tpu.contract_precision<fp32>, transpose_lhs_hint = false} : vector<2048x128xf32>, vector<128x128xf32>, vector<2048x128xf32> -> vector<2048x128xf32>
    %get3A_16 = arith.constant 0 : index
    %get3A_17 = arith.constant 0 : index
    %get3A_18 = vector.load %arg5[%get3A_16, %get3A_17] : memref<1x128xf32, #tpu.memory_space<vmem>>, vector<1x128xf32>
    %gt3A = arith.constant 0.000000e+00 : f32
    %gt3A_19 = vector.broadcast %gt3A : f32 to vector<2048x1xf32>
    %gt3A_20 = arith.cmpf ogt, %broadcast_in_dim3A, %gt3A_19 : vector<2048x1xf32>
    %convert_element_type3A = arith.extui %gt3A_20 : vector<2048x1xi1> to vector<2048x1xi32>
    %convert_element_type3A_21 = arith.sitofp %convert_element_type3A : vector<2048x1xi32> to vector<2048x1xf32>
    %mul3A = vector.broadcast %get3A_18 : vector<1x128xf32> to vector<2048x128xf32>
    %mul3A_22 = vector.broadcast %convert_element_type3A_21 : vector<2048x1xf32> to vector<2048x128xf32>
    %mul3A_23 = arith.mulf %mul3A, %mul3A_22 : vector<2048x128xf32>
    %add3A_24 = arith.addf %dot_general3A_15, %mul3A_23 : vector<2048x128xf32>
    %swap3A = arith.constant 0 : index
    %swap3A_25 = arith.constant 0 : index
    %swap3A_26 = vector.load %arg6[%swap3A, %swap3A_25] : memref<2048x128xf32, #tpu.memory_space<vmem>>, vector<2048x128xf32>
    tpu.vector_store %arg6[%swap3A, %swap3A_25], %add3A_24 {strides = array<i32>} : memref<2048x128xf32, #tpu.memory_space<vmem>>, vector<2048x128xf32>,
    return
  }
  func.func @transform_0(%arg0: i32) -> (i32, i32) {
    %c0_i32 = arith.constant 0 : i32
    %c0_i32_0 = arith.constant 0 : i32
    return %arg0, %c0_i32 : i32, i32
  }
  func.func @transform_1(%arg0: i32) -> (i32, i32) {
    %c0_i32 = arith.constant 0 : i32
    %c0_i32_0 = arith.constant 0 : i32
    return %arg0, %c0_i32 : i32, i32
  }
  func.func @transform_2(%arg0: i32) -> (i32, i32) {
    %c0_i32 = arith.constant 0 : i32
    %c0_i32_0 = arith.constant 0 : i32
    return %c0_i32, %arg0 : i32, i32
  }
  func.func @transform_3(%arg0: i32) -> (i32, i32) {
    %c0_i32 = arith.constant 0 : i32
    %c0_i32_0 = arith.constant 0 : i32
    %c0_i32_1 = arith.constant 0 : i32
    return %c0_i32, %c0_i32_0 : i32, i32
  }
  func.func @transform_4(%arg0: i32) -> (i32, i32) {
    %c0_i32 = arith.constant 0 : i32
    %c0_i32_0 = arith.constant 0 : i32
    %c0_i32_1 = arith.constant 0 : i32
    return %c0_i32, %c0_i32_0 : i32, i32
  }
  func.func @transform_5(%arg0: i32) -> (i32, i32) {
    %c0_i32 = arith.constant 0 : i32
    %c0_i32_0 = arith.constant 0 : i32
    return %arg0, %c0_i32 : i32, i32
  }
}

</mosaic_0001>

<sc_bundles>
// kernel: kernel.4.cloned.1.call-start
scs
__scs_entry_jumppad:
0x0: {  	(pc) =	sbr.rel $0x88, $3  }
0x1: {  	(tag) =	ssettag $0x0;
	lr =	simm.s32 $0x1  }
0x2: {  	[smem:$0x3F9D] =	sst lr;
	_ =	strace $0xD0000000  }
0x3: {  	_ = 	snop  }
0x4: {  	_ = 	snop  }
0x5: {  	_ = 	snop  }
0x6: {  	_ = 	snop  }
0x7: {  	_ = 	snop  }
__scs_overlays_trampoline_lowered:
0x8: {  	[smem:$0x3FAC] =	sst s0  }
0x9: {  	[smem:$0x3FAD] =	sst s1  }
0xa: {  	[smem:$0x3FAE] =	sst s2  }
0xb: {  	[smem:$0x3FAF] =	sst s3  }
0xc: {  	[smem:$0x3FB0] =	sst s4  }
0xd: {  	[smem:$0x3FB1] =	sst s5  }
0xe: {  	[smem:$0x3FB2] =	sst s6  }
0xf: {  	[smem:$0x3FB3] =	sst s7  }
0x10: {  	[smem:$0x3FB4] =	sst s8  }
0x11: {  	[smem:$0x3FB5] =	sst s9;
	s0 =	simm.s32 @!p0 $0x0  }
0x12: {  	s1 =	sld [smem:$0x3F9B];
	s0 =	simm.s32 @p0 $0x1  }
0x13: {  	[smem:$0x3FB6] =	sst s0;
	s0 =	simm.s32 @!p1 $0x0  }
0x14: {  	s2 =	sld [smem:$0x3F9A];
	s0 =	simm.s32 @p1 $0x1  }
0x15: {  	[smem:$0x3FB7] =	sst s0;
	s0 =	simm.s32 @!p2 $0x0  }
0x16: {  	s3 =	sld [smem:$0x3FDB];
	s0 =	simm.s32 @p2 $0x1  }
0x17: {  	s4 =	simm.s32 $0x1BF5;
	[smem:$0x3FB9] =	sst s0  }
0x18: {  	s0 =	sld [smem:$0x3F9C];
	_ =	swait.ge [sflag:s4], $0x0  }
0x19: {  	s7 =	sld [smem:$0x3F9D]  }
0x1a: {  	s8 =	sadd.s32 $0xFFFFE003, lr  }
0x1b: {  	s9 =	sadd.s32 $0xFFFFFEF7, lr;
	s5 =	simm.s32 $0xFFFFFFFF;
	p2 =	slt.u32 s8, $0xFFFFF086  }
0x1c: {  	p1 =	slt.u32 s9, $0xF7A;
	s5 =	simm.s32 @!p2 $0x0  }
0x1d: {  	s5 =	simm.s32 @p1 $0x1;
	p0 =	seq.s32 s7, s2  }
0x1e: {  	s7 =	smul.u32 @!p0 $0xF7A, s2;
	p2 =	seq.s32 @!p0 s5, $0x0  }
0x1f: {  	s9 =	smul.u32 $0xF7A, s1;
	s8 =	simm.s32 @!p0 $0x1BF5;
	p2 =	por !p2, p0  }
0x20: {  	[sflag:s8] =	ssyncset.s32 @!p0 $0xFFFFF086;
	s6 =	sadd.s32 @!p0 s3, s7;
	s7 =	simm.s32 @!p0 $0x108  }
0x21: {  	s3 =	sadd.s32 s3, s9;
	s6 =	sadd.s32 @!p0 $0x88, s6;
	s7 =	simm.s32 @p2 $0x1082  }
0x22: {  	[simem:s7], [sflag:s8] =	dma.local @!p0 [hbm:s6], $0xF7A  }
0x23: {  	s9 =	sor.u32 $0xD0000000, s2;
	s6 =	simm.s32 $0x108;
	_ =	swait.ge @!p0 [sflag:s8], $0x0  }
0x24: {  	s3 =	sadd.s32 $0x88, s3;
	s6 =	simm.s32 @!p1 $0x1082;
	[sflag:s4] =	ssyncset.s32 $0xFFFFF086  }
0x25: {  	[simem:s6], [sflag:s4] =	dma.local [hbm:s3], $0xF7A  }
0x26: {  	[smem:$0x3F9D] =	sst s1;
	(tag) =	ssettag s2;
	_ =	strace s9  }
0x27: {  	s1 =	sld [smem:$0x3FAD]  }
0x28: {  	s2 =	sld [smem:$0x3FAE]  }
0x29: {  	s4 =	sld [smem:$0x3FB0]  }
0x2a: {  	p0 =	seq.s32 s5, $0x0;
	s5 =	sld [smem:$0x3FB1]  }
0x2b: {  	s6 =	sld [smem:$0x3FB2]  }
0x2c: {  	s7 =	sld [smem:$0x3FB3]  }
0x2d: {  	s3 =	simm.s32 $0x108;
	s8 =	sld [smem:$0x3FB4]  }
0x2e: {  	s3 =	simm.s32 @!p0 $0x1082;
	s9 =	sld [smem:$0x3FB5]  }
0x2f: {  	lr =	sadd.s32 s0, s3;
	s0 =	sld [smem:$0x3FAC]  }
0x30: {  	s3 =	sld [smem:$0x3FAF]  }
0x31: {  	[smem:$0x3FB8] =	sst s10  }
0x32: {  	s10 =	sld [smem:$0x3FB6];
	_ =	sdelay $0x3  }
0x33: {  	p0 =	seq.s32 s10, $0x1;
	s10 =	sld [smem:$0x3FB8];
	_ =	sdelay $0x3  }
0x34: {  	[smem:$0x3FB8] =	sst s10  }
0x35: {  	s10 =	sld [smem:$0x3FB7];
	_ =	sdelay $0x3  }
0x36: {  	p1 =	seq.s32 s10, $0x1;
	s10 =	sld [smem:$0x3FB8];
	_ =	sdelay $0x3  }
0x37: {  	[smem:$0x3FB8] =	sst s10  }
0x38: {  	s10 =	sld [smem:$0x3FB9]  }
0x39: {  	_ = 	snop;
	(pc) =	sbr.ind lr, $3  }
0x3a: {  	_ = 	snop  }
0x3b: {  	_ = 	snop  }
0x3c: {  	p2 =	seq.s32 s10, $0x1;
	s10 =	sld [smem:$0x3FB8]  }
0x3d: {  	_ =	shalt  }
0x3e: {  	_ =	shalt  }
0x3f: {  	_ =	shalt  }
0x40: {  	_ =	shalt  }
0x41: {  	_ =	shalt  }
0x42: {  	_ =	shalt  }
0x43: {  	_ =	shalt  }
0x44: {  	_ =	shalt  }
0x45: {  	_ =	shalt  }
0x46: {  	_ =	shalt  }
0x47: {  	_ =	shalt  }
0x48: {  	_ =	shalt  }
0x49: {  	_ =	shalt  }
0x4a: {  	_ =	shalt  }
0x4b: {  	_ =	shalt  }
0x4c: {  	_ =	shalt  }
0x4d: {  	_ =	shalt  }
0x4e: {  	_ =	shalt  }
0x4f: {  	_ =	shalt  }
0x50: {  	_ =	shalt  }
0x51: {  	_ =	shalt  }
0x52: {  	_ =	shalt  }
0x53: {  	_ =	shalt  }
0x54: {  	_ =	shalt  }
0x55: {  	_ =	shalt  }
0x56: {  	_ =	shalt  }
0x57: {  	_ =	shalt  }
0x58: {  	_ =	shalt  }
0x59: {  	_ =	shalt  }
0x5a: {  	_ =	shalt  }
0x5b: {  	_ =	shalt  }
0x5c: {  	_ =	shalt  }
0x5d: {  	_ =	shalt  }
0x5e: {  	_ =	shalt  }
0x5f: {  	_ =	shalt  }
0x60: {  	_ =	shalt  }
0x61: {  	_ =	shalt  }
0x62: {  	_ =	shalt  }
0x63: {  	_ =	shalt  }
0x64: {  	_ =	shalt  }
0x65: {  	_ =	shalt  }
0x66: {  	_ =	shalt  }
0x67: {  	_ =	shalt  }
0x68: {  	_ =	shalt  }
0x69: {  	_ =	shalt  }
0x6a: {  	_ =	shalt  }
0x6b: {  	_ =	shalt  }
0x6c: {  	_ =	shalt  }
0x6d: {  	_ =	shalt  }
0x6e: {  	_ =	shalt  }
0x6f: {  	_ =	shalt  }
0x70: {  	_ =	shalt  }
0x71: {  	_ =	shalt  }
0x72: {  	_ =	shalt  }
0x73: {  	_ =	shalt  }
0x74: {  	_ =	shalt  }
0x75: {  	_ =	shalt  }
0x76: {  	_ =	shalt  }
0x77: {  	_ =	shalt  }
0x78: {  	_ =	shalt  }
0x79: {  	_ =	shalt  }
0x7a: {  	_ =	shalt  }
0x7b: {  	_ =	shalt  }
0x7c: {  	_ =	shalt  }
0x7d: {  	_ =	shalt  }
0x7e: {  	_ =	shalt  }
0x7f: {  	_ =	shalt  }
0x80: {  	_ =	shalt  }
0x81: {  	_ =	shalt  }
0x82: {  	_ =	shalt  }
0x83: {  	_ =	shalt  }
0x84: {  	_ =	shalt  }
0x85: {  	_ =	shalt  }
0x86: {  	_ =	shalt  }
0x87: {  	_ =	shalt  }
.Lfunc_end0:
.L_simem_size_0:
called_computation_lowered:
.L_overlay_start_0:
0x88: {  	s2 =	sld [smem:$0x3FD9]  }
0x89: {  	s3 =	sld [smem:$0x3FFE];
	_ =	sdelay $0x1  }
0x8a: {  	s1 =	srdreg.scid  }
0x8b: {  	s0 =	sand.u32 $0x1, s1  }
0x8c: {  	s17 =	sshll.u32 s0, $0xA;
	s2 =	sadd.s32 s3, s2  }
0x8d: {  	s2 =	sadd.s32 s2, s17  }
0x8e: {  	[smem:$0x3FC4] =	sst s2  }
0x8f: {  	_ = 	snop  }
0x90: {  	s2 =	sld [smem:$0x3FC9]  }
0x91: {  	s18 =	sld [smem:$0x3FD0];
	(tm) =	ssettm $0x1  }
0x92: {  	s4 =	sld [smem:$0x3FFB];
	_ =	sdelay $0x3  }
0x93: {  	_ =	strace s4  }
0x94: {  	s4 =	sld [smem:$0x3FFC];
	_ =	sdelay $0x3  }
0x95: {  	_ =	strace s4  }
0x96: {  	s4 =	sld [smem:$0x3FFD];
	_ =	sdelay $0x3  }
0x97: {  	_ =	strace s4  }
0x98: {  	_ =	strace $0x8FFFFFFF  }
0x99: {  	s19 =	sld [smem:$0x3FDB];
	_ =	sdelay $0x1  }
0x9a: {  	s5 =	simm.s32 $_scs_section_size  }
0x9b: {  	s6 =	simm.s32 $_size__tile_overlayer_lowered;
	s7 =	simm.s32 $_tile_overlayer_lowered  }
0x9c: {  	s22 =	simm.s32 $0x1BFF;
	s21 =	sshll.u32 s7, $0x1;
	s4 =	sadd.s32 s5, s19  }
0x9d: {  	s8 =	simm.s32 $0x0;
	s20 =	sshll.u32 s6, $0x1;
	s6 =	sadd.s32 s21, s4  }
0x9e: {  	[timem:s8], [sflag:s22] =	dma.local [hbm:s6], s20  }
0x9f: {  	_ =	swait.ge [sflag:s22], s20  }
0xa0: {  	s5 =	ssub.s32 $0x0, s20;
	[sflag:s22] =	ssyncset.done $0x0  }
0xa1: {  	[sflag:s22] =	ssyncadd.s32 s5;
	_ =	sdelay $0x1  }
0xa2: {  	s23 =	simm.s32 $0x1B8B  }
0xa3: {  	_ =	swait.ge [sflag:s23], $0x1  }
0xa4: {  	[sflag:s23] =	ssyncset.done $0x0  }
0xa5: {  	s25 =	simm.s32 $0x1B8E;
	s24 =	sld [smem:$0x3FFE];
	[sflag:s23] =	ssyncadd.s32 $0xFFFFFFFF  }
0xa6: {  	s26 =	simm.s32 $execute0_lowered;
	[smem:$0x3FD2] =	sst s25  }
0xa7: {  	s6 =	sshll.u32 s26, $0x1;
	_ =	strace $0x80000046;
	[dreg:$0x1] =	wrdreg $0xFFFFFFFF  }
0xa8: {  	s28 =	simm.s32 $_size_execute0_lowered;
	s4 =	sadd.s32 s4, s6;
	[dreg:$0x0] =	wrdreg $0x0  }
0xa9: {  	s6 =	sshll.u32 s28, $0x1;
	[dreg:$0x2] =	wrdreg s4  }
0xaa: {  	[dreg:$0x3] =	wrdreg s6  }
0xab: {  	[dreg:$0x4] =	wrdreg $0xC0  }
0xac: {  	_ =	task [dreg:s8], $0x5FFFF  }
0xad: {  	[dreg:$0x1] =	wrdreg $0xFFFFFFFF  }
0xae: {  	[dreg:$0x0] =	wrdreg $0x60  }
0xaf: {  	[dreg:$0x2] =	wrdreg s18  }
0xb0: {  	[dreg:$0x3] =	wrdreg s24  }
0xb1: {  	[dreg:$0x4] =	wrdreg s2  }
0xb2: {  	[dreg:$0x5] =	wrdreg $0xB8000  }
0xb3: {  	[dreg:$0x6] =	wrdreg $0x9  }
0xb4: {  	_ =	task.clear_ibuf [dreg:s8], $0x7FFFF;
	_ =	strace $0x90000046  }
0xb5: {  	s29 =	simm.s32 $0x9;
	_ =	strace $0x80000048  }
0xb6: {  	_ =	swait.ge [sflag:s29], $0x1  }
0xb7: {  	[sflag:s29] =	ssyncadd.s32 $0xFFFFFFFF  }
0xb8: {  	_ =	strace $0x90000048  }
0xb9: {  	_ =	sfence  }
0xba: {  	s30 =	sld [smem:$0x0];
	_ =	sdelay $0x2  }
0xbb: {  	s31 =	sshll.u32 s1, $0xD;
	s1 =	sshrl.u32 s1, $0x2  }
0xbc: {  	s3 =	sand.u32 $0x4000, s31;
	s1 =	sadd.s32 s1, s30  }
0xbd: {  	s0 =	sor.u32 s3, s0;
	s1 =	sshll.u32 s1, $0x11  }
0xbe: {  	s0 =	sor.u32 s1, s0  }
0xbf: {  	s0 =	sadd.s32 $0x8F2B, s0  }
0xc0: {  	[sflag:s0] =	ssyncadd.remote.s32 $0x1  }
0xc1: {  	_ =	sfence.sel $0xFFFF  }
0xc2: {  	[dreg:$0x0] =	wrdreg $0xFFFFFFFF;
	(pc) =	sbr.abs _section_cstart, $3  }
0xc3: {  	[dreg:$0x1] =	wrdreg $0xFFFFFFFF  }
0xc4: {  	_ =	task.clear_ibuf [dreg:s8], $0x2FFFF;
	_ =	strace $0x9FFFFFFF  }
0xc5: {  	(tm) =	ssettm $0x7FFFFFFF  }
tec
execute0_lowered:
.L_overlay_start_1:
0x0: {  	(tag) =	ssettag $0x1  }
0x1: {  	s10 =	rddreg [dreg:$0x0]  }
0x2: {  	s6 =	rddreg [dreg:$0x1]  }
0x3: {  	s2 =	rddreg [dreg:$0x2]  }
0x4: {  	s0 =	srdreg.scid;
	s3 =	rddreg [dreg:$0x3];
	s4 =	simm.s32 $0x0  }
0x5: {  	s16 =	simm.s32 $0x2;
	s17 =	simm.s32 $0x2800;
	s18 =	simm.s32 $0x80  }
0x6: {  	s19 =	simm.s32 $0x9000;
	s20 =	simm.s32 $0x1;
	s5 =	sand.u32 $0x1, s0  }
0x7: {  	s21 =	simm.s32 $0x400;
	s0 =	stileid.u32;
	s7 =	smul.u32 $0x140000, s5  }
0x8: {  	[smem:$0x7FF] =	sst s4;
	s1 =	sshll.u32 s5, $0x4;
	s8 =	smul.u32 $0x14000, s0  }
0x9: {  	s9 =	smul.u32 $0x28000, s5;
	s12 =	sshrl.u32 s0, $0x3;
	s23 =	sshll.u32 s0, $0x7  }
0xa: {  	s14 =	smul.u32 $0x50000, s0;
	s26 =	ssub.s32 $0x2, s5;
	s1 =	sor.u32 s0, s1  }
0xb: {  	s22 =	smul.u32 $0x14000, s12;
	s25 =	sand.u32 $0x380, s23;
	s29 =	sshrl.u32 s26, $0x1  }
0xc: {  	s11 =	smul.u32 $0x500, s1;
	s1 =	rddreg [dreg:$0x4];
	_ =	strace $0x80000047  }
0xd: {  	s7 =	sadd.s32 s8, s7;
	s28 =	sshrl.u32 s14, $0x2;
	s31 =	ssub.s32 s26, s29  }
0xe: {  	s7 =	sshrl.u32 s7, $0x3;
	s24 =	sadd.s32 s9, s22;
	s5 =	sadd.s32 s28, s3  }
0xf: {  	s14 =	smax.u32 s31, $0x1;
	s13 =	sadd.s32 s11, s6;
	s15 =	sadd.s32 s7, s6  }
0x10: {  	s7 =	sor.u32 s25, s24;
	s8 =	sadd.s32 $0xC000, s5;
	s9 =	sadd.s32 $0x10000, s5  }
0x11: {  	s10 =	sadd.s32 s10, s11;
	s7 =	sshrl.u32 s7, $0x3;
	s11 =	sadd.s32 $0x800, s13  }
0x12: {  	s13 =	sadd.s32 $0xA800, s15;
	s15 =	simm.s32 $0x5000;
	s30 =	sadd.s32 s7, s6  }
0x13: {  	v0 =	vimm.f32 $0.0e+00;
	v1 =	vimm.f32 $1.000000000e+00;
	s6 =	sadd.s32 $0x4000, s5;
	s7 =	sadd.s32 $0x8000, s5;
	s12 =	sadd.s32 $0x5A800, s30  }
.LBB2_1:
0x14: {  	s22 =	simm.s32 $0x0;
	s23 =	simm.s32 $0x200  }
.LBB2_2:
0x15: {  	p0 =	sne.s32 s23, $0xFE00;
	[tilespmem:s22+$0x5070] =	vst v0  }
0x16: {  	[tilespmem:s22+$0x5000] =	vst v0  }
0x17: {  	[tilespmem:s22+$0x5010] =	vst v0  }
.Ltmp0:
0x18: {  	[tilespmem:s22+$0x5020] =	vst v0;
	(pc) =	sbr.rel @p0 .LBB2_2-.Ltmp0, $4  }
0x19: {  	[tilespmem:s22+$0x5030] =	vst v0  }
0x1a: {  	[tilespmem:s22+$0x5040] =	vst v0  }
0x1b: {  	[tilespmem:s22+$0x5050] =	vst v0  }
0x1c: {  	[tilespmem:s22+$0x5060] =	vst v0;
	s22 =	sshra.s32 s23, $0x2;
	s23 =	sadd.s32 $0x200, s23  }
0x1d: {  	[tilespmem:s22+$0x5070] =	vst v0  }
0x1e: {  	[tilespmem:s22+$0x5000] =	vst v0  }
0x1f: {  	[tilespmem:s22+$0x5010] =	vst v0  }
0x20: {  	[tilespmem:s22+$0x5020] =	vst v0  }
0x21: {  	[tilespmem:s22+$0x5030] =	vst v0  }
0x22: {  	[tilespmem:s22+$0x5040] =	vst v0  }
0x23: {  	[tilespmem:s22+$0x5050] =	vst v0  }
0x24: {  	[tilespmem:s22+$0x5060] =	vst v0;
	s22 =	simm.s32 $0x0;
	s23 =	simm.s32 $0x200  }
.LBB2_4:
0x25: {  	p0 =	sne.s32 s23, $0x9E00;
	[tilespmem:s22+$0x9070] =	vst v0  }
0x26: {  	[tilespmem:s22+$0x9000] =	vst v0  }
0x27: {  	[tilespmem:s22+$0x9010] =	vst v0  }
.Ltmp1:
0x28: {  	[tilespmem:s22+$0x9020] =	vst v0;
	(pc) =	sbr.rel @p0 .LBB2_4-.Ltmp1, $4  }
0x29: {  	[tilespmem:s22+$0x9030] =	vst v0  }
0x2a: {  	[tilespmem:s22+$0x9040] =	vst v0  }
0x2b: {  	[tilespmem:s22+$0x9050] =	vst v0  }
0x2c: {  	[tilespmem:s22+$0x9060] =	vst v0;
	s22 =	sshra.s32 s23, $0x2;
	s23 =	sadd.s32 $0x200, s23  }
0x2d: {  	[tilespmem:s22+$0x9070] =	vst v0  }
0x2e: {  	[tilespmem:s22+$0x9000] =	vst v0  }
0x2f: {  	[tilespmem:s22+$0x9010] =	vst v0  }
0x30: {  	[tilespmem:s22+$0x9020] =	vst v0  }
0x31: {  	[tilespmem:s22+$0x9030] =	vst v0  }
0x32: {  	[tilespmem:s22+$0x9040] =	vst v0  }
0x33: {  	[tilespmem:s22+$0x9050] =	vst v0  }
0x34: {  	[tilespmem:s22+$0x9060] =	vst v0  }
0x35: {  	[spmem:s5] =	stream.linear.scatter [tilespmem:s15], [sflag:$0x2], $0x4000, $0x38;
	[tilespmem:$0x1F800] =	vst v63  }
0x36: {  	_ =	swait.ge [sflag:s16], $0x4000  }
0x37: {  	[sflag:s16] =	ssyncset.done $0x0  }
0x38: {  	[sflag:s16] =	ssyncadd.s32 $0xFFFFC000  }
0x39: {  	[spmem:s6] =	stream.linear.scatter [tilespmem:s15], [sflag:$0x2], $0x4000, $0x38;
	[tilespmem:$0x1F800] =	vst v63  }
0x3a: {  	_ =	swait.ge [sflag:s16], $0x4000  }
0x3b: {  	[sflag:s16] =	ssyncset.done $0x0  }
0x3c: {  	[sflag:s16] =	ssyncadd.s32 $0xFFFFC000  }
0x3d: {  	[spmem:s7] =	stream.linear.scatter [tilespmem:s15], [sflag:$0x2], $0x4000, $0x38;
	[tilespmem:$0x1F800] =	vst v63  }
0x3e: {  	_ =	swait.ge [sflag:s16], $0x4000  }
0x3f: {  	[sflag:s16] =	ssyncset.done $0x0  }
0x40: {  	[sflag:s16] =	ssyncadd.s32 $0xFFFFC000  }
0x41: {  	[spmem:s8] =	stream.linear.scatter [tilespmem:s15], [sflag:$0x2], $0x4000, $0x38;
	[tilespmem:$0x1F800] =	vst v63  }
0x42: {  	_ =	swait.ge [sflag:s16], $0x4000  }
0x43: {  	[sflag:s16] =	ssyncset.done $0x0  }
0x44: {  	[sflag:s16] =	ssyncadd.s32 $0xFFFFC000  }
0x45: {  	[spmem:s9] =	stream.linear.scatter [tilespmem:s15], [sflag:$0x2], $0x4000, $0x38;
	[tilespmem:$0x1F800] =	vst v63  }
0x46: {  	_ =	swait.ge [sflag:s16], $0x4000  }
0x47: {  	[sflag:s16] =	ssyncset.done $0x0  }
0x48: {  	[sflag:s16] =	ssyncadd.s32 $0xFFFFC000  }
0x49: {  	s22 =	simm.s32 $0x0;
	[bflag:$0x0] =	sbarrier.arrive $0xFFFF  }
0x4a: {  	[tilespmem:s22], [sflag:$0x2] =	stream.linear.gather [hbm4b:s10+s22], $0x2780, $0x38;
	[tilespmem:$0x1F800] =	vst v63  }
0x4b: {  	_ =	swait.ge [sflag:s16], $0x2780  }
0x4c: {  	[sflag:s16] =	ssyncset.done $0x0  }
0x4d: {  	[sflag:s16] =	ssyncadd.s32 $0xFFFFD880  }
0x4e: {  	[tilespmem:s17], [sflag:$0x2] =	stream.linear.gather [hbm4b:s11+s22], $0x2780, $0x38;
	[tilespmem:$0x1F800] =	vst v63  }
0x4f: {  	_ =	swait.ge [sflag:s16], $0x2780  }
0x50: {  	[sflag:s16] =	ssyncset.done $0x0  }
0x51: {  	[sflag:s16] =	ssyncadd.s32 $0xFFFFD880  }
.LBB2_6:
0x52: {  	s23 =	sshra.s32 s22, $0x2  }
0x53: {  	[tilespmem:s15], [sflag:$0x1] =	stream.indirect.gather [hbm4b:s2+s18], $0x80, s23, s18, $0xb8;
	[tilespmem:$0x1F800] =	vst v63  }
0x54: {  	v2 =	vld [tilespmem:s23+$0x2800];
	_ =	sdelay $0x7  }
0x55: {  	[tilespmem:v2+s19+$0x0] =	vst.idx.add.f32.msk $0xffff, v1  }
0x56: {  	v2 =	vld [tilespmem:s23+$0x2810];
	_ =	sdelay $0x7  }
0x57: {  	[tilespmem:v2+s19+$0x0] =	vst.idx.add.f32.msk $0xffff, v1  }
0x58: {  	v2 =	vld [tilespmem:s23+$0x2820];
	_ =	sdelay $0x7  }
0x59: {  	[tilespmem:v2+s19+$0x0] =	vst.idx.add.f32.msk $0xffff, v1  }
0x5a: {  	v2 =	vld [tilespmem:s23+$0x2830];
	_ =	sdelay $0x7  }
0x5b: {  	[tilespmem:v2+s19+$0x0] =	vst.idx.add.f32.msk $0xffff, v1  }
0x5c: {  	v2 =	vld [tilespmem:s23+$0x2840];
	_ =	sdelay $0x7  }
0x5d: {  	[tilespmem:v2+s19+$0x0] =	vst.idx.add.f32.msk $0xffff, v1  }
0x5e: {  	v2 =	vld [tilespmem:s23+$0x2850];
	_ =	sdelay $0x7  }
0x5f: {  	[tilespmem:v2+s19+$0x0] =	vst.idx.add.f32.msk $0xffff, v1  }
0x60: {  	v2 =	vld [tilespmem:s23+$0x2860];
	_ =	sdelay $0x7  }
0x61: {  	[tilespmem:v2+s19+$0x0] =	vst.idx.add.f32.msk $0xffff, v1  }
0x62: {  	v2 =	vld [tilespmem:s23+$0x2870];
	_ =	sdelay $0x7  }
0x63: {  	[tilespmem:v2+s19+$0x0] =	vst.idx.add.f32.msk $0xffff, v1  }
0x64: {  	_ =	swait.ge [sflag:s20], $0x4000  }
0x65: {  	p0 =	sne.s32 s22, $0x9C00;
	[sflag:s20] =	ssyncset.done $0x0  }
.Ltmp2:
0x66: {  	s23 =	sadd.s32 $0x2800, s23;
	[sflag:s20] =	ssyncadd.s32 $0xFFFFC000;
	(pc) =	sbr.rel @p0 .LBB2_6-.Ltmp2, $4  }
0x67: {  	[spmem:s3] =	stream.indirect.scatter.add.f32 [tilespmem:s15], [sflag:$0x2], $0x80, s23, s18, $0xb8;
	[tilespmem:$0x1F800] =	vst v63  }
0x68: {  	_ =	swait.ge [sflag:s16], $0x4000  }
0x69: {  	[sflag:s16] =	ssyncset.done $0x0  }
0x6a: {  	s22 =	sadd.s32 $0x200, s22;
	[sflag:s16] =	ssyncadd.s32 $0xFFFFC000  }
0x6b: {  	[hbm4b:s12+s18] =	stream.strided.scatter [tilespmem:s19], [sflag:$0x2], $0x2800, s21, s18, $0x38;
	[tilespmem:$0x1F800] =	vst v63  }
0x6c: {  	_ =	swait.ge [sflag:s16], $0x2800  }
0x6d: {  	s22 =	sshll.u32 s0, $0x6;
	s4 =	sadd.s32 $0x1, s4;
	[sflag:s16] =	ssyncset.done $0x0  }
0x6e: {  	s23 =	sshrl.u32 s5, $0x3;
	p0 =	sne.s32 s4, s14;
	[sflag:s16] =	ssyncadd.s32 $0xFFFFD800  }
.Ltmp3:
0x6f: {  	s22 =	sor.u32 $0x1C02, s22;
	[bflag:$0x0] =	sbarrier.arrive $0xFFFF;
	(pc) =	sbr.rel @p0 .LBB2_1-.Ltmp3, $4  }
0x70: {  	[hbm:s13], [sflag:s22] =	dma.local [spmem:s23], $0x2800  }
0x71: {  	_ =	swait.ge [sflag:s16], $0x2800  }
0x72: {  	[sflag:s16] =	ssyncset.done $0x0  }
0x73: {  	[sflag:s16] =	ssyncadd.s32 $0xFFFFD800  }
0x74: {  	_ =	sfence.sel $0x180000  }
0x75: {  	[bflag:$0x0] =	sbarrier.arrive $0xFFFF  }
0x76: {  	p0 =	sne.s32 s0, $0x0;
	_ =	strace $0x90000047  }
0x77: {  	s0 =	sadd.s32 @!p0 $0x100000, s1;
	[bflag:$0x2] =	sbarrier.arrive $0xFFFF  }
0x78: {  	[sflag:s0] =	ssyncadd.tile.s32 @!p0 $0x1;
	_ =	shalt  }
.Lfunc_end2:
_tile_overlayer_lowered:
.L_overlay_start_2:
0x79: {  	(tag) =	ssettag $0x2  }
0x7a: {  	s0 =	rddreg [dreg:$0x0];
	s2 =	stileid.u32  }
0x7b: {  	s1 =	rddreg [dreg:$0x1];
	p0 =	sne.s32 s2, $0x0  }
0x7c: {  	s3 =	rddreg [dreg:$0x2];
	[bflag:$0x3] =	sbarrier.arrive $0xFFFF;
	s2 =	simm.s32 @!p0 $0x1C02  }
0x7d: {  	[timem:s3], [sflag:s2] =	dma.local @!p0 [hbm:s0], s1  }
0x7e: {  	s0 =	simm.s32 @!p0 $0x2  }
0x7f: {  	_ =	swait.ge @!p0 [sflag:s0], s1  }
0x80: {  	s1 =	ssub.s32 @!p0 $0x0, s1;
	[sflag:s0] =	ssyncset.done @!p0 $0x0  }
0x81: {  	[sflag:s0] =	ssyncadd.s32 @!p0 s1  }
0x82: {  	[bflag:$0x3] =	sbarrier.arrive $0xFFFF  }
0x83: {  	_ =	shalt  }

</sc_bundles>
